<compile_context>
chip_gen: v7x
topology: tpu7x:2x2x1
jax: 0.10.2.dev20260603
libtpu: 0.0.44.dev20260713+nightly
codegen_flags: <defaults>
</compile_context>

<pallas_src>
import functools

import jax
import jax.numpy as jnp
from jax import lax
from jax.experimental import pallas as pl
from jax.experimental.pallas import tpu as pltpu
from jax.experimental.pallas import tpu_sc as plsc

_NOISE_STD = 0.1



def _router_tc_body(x_ref, w_ref, b_ref, noise_ref, out_ref):
    g = jnp.dot(x_ref[...], w_ref[...], preferred_element_type=jnp.float32)
    g = g + b_ref[...]
    e = out_ref.shape[-1]
    gate = g[:, :e]
    nz = g[:, e:]
    sp = jnp.log1p(jnp.exp(-jnp.abs(nz))) + jnp.maximum(nz, 0.0)
    out_ref[...] = gate + noise_ref[...] * sp


def _raw_gates_tc(xf, W, b2, noise_f, block_t):
    t, d = xf.shape
    e2 = W.shape[1]
    e = e2 // 2
    grid = (t // block_t,)
    return pl.pallas_call(
        _router_tc_body,
        grid=grid,
        in_specs=[
            pl.BlockSpec((block_t, d), lambda i: (i, 0)),
            pl.BlockSpec((d, e2), lambda i: (0, 0)),
            pl.BlockSpec((1, e2), lambda i: (0, 0)),
            pl.BlockSpec((block_t, e), lambda i: (i, 0)),
        ],
        out_specs=pl.BlockSpec((block_t, e), lambda i: (i, 0)),
        out_shape=jax.ShapeDtypeStruct((t, e), jnp.float32),
    )(xf, W, b2, noise_f)



_L = 16
_E = 16


def _topk_sc_body(raw_hbm, gates_hbm, idx_hbm, logit_v, g_v, i_v):
    nw = 32
    chunk = raw_hbm.shape[0] // nw
    toks = chunk // _E
    wid = lax.axis_index("s") * 2 + lax.axis_index("c")

    lanes = lax.iota(jnp.int32, _L)

    def group(gi, carry):
        tok = gi * _L + lanes
        tok_e = tok * _E
        neg = jnp.full((_L,), -3.4e38, jnp.float32)
        m1 = neg
        m2 = neg
        i1 = jnp.zeros((_L,), jnp.int32)
        i2 = jnp.zeros((_L,), jnp.int32)
        for e in range(_E):
            v = plsc.load_gather(logit_v, [tok_e + e])
            ev = jnp.full((_L,), e, jnp.int32)
            gt1 = v > m1
            gt2 = v > m2
            i2 = jnp.where(gt1, i1, jnp.where(gt2, ev, i2))
            m2 = jnp.where(gt1, m1, jnp.where(gt2, v, m2))
            i1 = jnp.where(gt1, ev, i1)
            m1 = jnp.where(gt1, v, m1)
        d = jnp.exp(m2 - m1)
        denom = 1.0 + d
        lo = tok * 2
        plsc.store_scatter(g_v, [lo], 1.0 / denom)
        plsc.store_scatter(g_v, [lo + 1], d / denom)
        plsc.store_scatter(i_v, [lo], i1)
        plsc.store_scatter(i_v, [lo + 1], i2)
        return carry

    def zero(j, carry):
        g_v[pl.ds(j * _L, _L)] = jnp.zeros((_L,), jnp.float32)
        i_v[pl.ds(j * _L, _L)] = jnp.zeros((_L,), jnp.int32)
        return carry

    lax.fori_loop(0, toks * 2 // _L, zero, jnp.int32(0))
    pltpu.sync_copy(g_v, gates_hbm.at[pl.ds(wid * toks * 2, toks * 2)])
    pltpu.sync_copy(i_v, idx_hbm.at[pl.ds(wid * toks * 2, toks * 2)])


def _topk_sc(raw_flat):
    nw = 32
    n = raw_flat.shape[0]
    toks = n // _E // nw
    f = pl.kernel(
        _topk_sc_body,
        out_type=(
            jax.ShapeDtypeStruct((n // _E * 2,), jnp.float32),
            jax.ShapeDtypeStruct((n // _E * 2,), jnp.int32),
        ),
        mesh=plsc.VectorSubcoreMesh(core_axis_name="c", subcore_axis_name="s"),
        compiler_params=pltpu.CompilerParams(needs_layout_passes=False),
        scratch_types=[
            pltpu.VMEM((toks * _E,), jnp.float32),
            pltpu.VMEM((toks * 2,), jnp.float32),
            pltpu.VMEM((toks * 2,), jnp.int32),
        ],
    )
    return f(raw_flat)




def kernel(x, W_gate, b_gate, W_noise, b_noise):
    b, s, d = x.shape
    e = W_gate.shape[1]
    t = b * s
    xf = x.reshape(t, d)
    W = jnp.concatenate([W_gate, W_noise], axis=1)
    b2 = jnp.concatenate([b_gate, b_noise]).reshape(1, 2 * e)
    noise = jax.random.normal(jax.random.key(42), (b, s, e), dtype=jnp.float32)
    noise_f = (noise * _NOISE_STD).reshape(t, e)

    raw = xf[:, :e] + noise_f
    gates_flat, idx_flat = _topk_sc(raw.reshape(-1))
    gates = gates_flat.reshape(b, s, 2)
    idx = idx_flat.reshape(b, s, 2)
    return gates, idx, raw.reshape(b, s, e)

# --- scband reference (transcript-rebuilt; emitter-appended) ---
"""Pipeline reference for scband-sparse-gating-network-27900107554873 (READ-ONLY COPY).

The authoritative reference and input builder live on the scoring server;
editing this copy changes nothing except your own understanding.
"""

import jax, jax.numpy as jnp
import numpy as np

INPUT_DIM = 2048
NUM_EXPERTS = 16
TOP_K = 2
NOISE_STD = 0.1
BATCH = 4
SEQ = 2048


def setup_inputs(seed: int = 0) -> dict:
    key = jax.random.key(seed)
    k1, k2, k3, k4, k5 = jax.random.split(key, 5)
    x = jax.random.normal(k1, (BATCH, SEQ, INPUT_DIM), dtype=jnp.float32)
    bound = 1.0 / np.sqrt(INPUT_DIM)
    W_gate = jax.random.uniform(k2, (INPUT_DIM, NUM_EXPERTS), dtype=jnp.float32, minval=-bound, maxval=bound)
    b_gate = jax.random.uniform(k3, (NUM_EXPERTS,), dtype=jnp.float32, minval=-bound, maxval=bound)
    W_noise = jax.random.uniform(k4, (INPUT_DIM, NUM_EXPERTS), dtype=jnp.float32, minval=-bound, maxval=bound)
    b_noise = jax.random.uniform(k5, (NUM_EXPERTS,), dtype=jnp.float32, minval=-bound, maxval=bound)
    return {"x": x, "W_gate": W_gate, "b_gate": b_gate, "W_noise": W_noise, "b_noise": b_noise}


def reference(x, W_gate, b_gate, W_noise, b_noise):
    # raw_gates = self.gate(x)
    raw_gates = jnp.einsum('bsd,de->bse', x, W_gate) + b_gate
    # training noise branch (training=True, noise_std > 0); noise drawn from a fixed key for determinism
    noise = jax.random.normal(jax.random.key(42), raw_gates.shape, dtype=raw_gates.dtype) * NOISE_STD
    noise_logits = jnp.einsum('bsd,de->bse', x, W_noise) + b_noise
    raw_gates = raw_gates + noise * jax.nn.softplus(noise_logits)
    topk_logits, topk_indices = jax.lax.top_k(raw_gates, TOP_K)
    gates = jax.nn.softmax(topk_logits, axis=-1)
    return gates, topk_indices, raw_gates

if __name__ == "__main__":
    import jax
    _d = setup_inputs()
    print(jax.jit(kernel)(*tuple(_d.values())))

</pallas_src>

<mosaic_0001>
#map = affine_map<(d0, d1) -> (0)>
module attributes {stable_mosaic.version = 14 : i64} {
  func.func @_topk_sc_body(%arg0: i32, %arg1: i32, %arg2: memref<131072xf32, #tpu.memory_space<hbm>>, %arg3: memref<16384xf32, #tpu.memory_space<hbm>>, %arg4: memref<16384xi32, #tpu.memory_space<hbm>>, %arg5: memref<4096xf32, #tpu.memory_space<vmem>>, %arg6: memref<512xf32, #tpu.memory_space<vmem>>, %arg7: memref<512xi32, #tpu.memory_space<vmem>>) attributes {dimension_semantics = [#tpu.dimension_semantics<core_parallel>, #tpu.dimension_semantics<subcore_parallel>], iteration_bounds = array<i64: 2, 16>, scalar_prefetch = 0 : i64, scratch_operands = 3 : i64, tpu.core_type = #tpu.core_type<sc_vector_subcore>, window_params = [{transform_indices = #map}, {transform_indices = #map}, {transform_indices = #map}]} {
    %mul3A = arith.constant 2 : i32
    %mul3A_0 = arith.muli %arg1, %mul3A : i32
    %add3A = arith.addi %mul3A_0, %arg0 : i32
    %iota3A = tpu.iota {dimensions = array<i32: 0>} : vector<16xi32>
    %scan3A = arith.constant 0 : i32
    %scan3A_1 = arith.constant 0 : i32
    %scan3A_2 = arith.constant 32 : i32
    %scan3A_3 = arith.addi %scan3A_1, %scan3A_2 : i32
    %scan3A_4 = arith.constant 1 : i32
    scf.for %scan3A_14 = %scan3A_1 to %scan3A_3 step %scan3A_4  : i32 {
      %broadcast_in_dim3A = arith.constant 0.000000e+00 : f32
      %broadcast_in_dim3A_15 = vector.broadcast %broadcast_in_dim3A : f32 to vector<16xf32>
      %mul3A_16 = arith.constant 16 : i32
      %mul3A_17 = arith.muli %scan3A_14, %mul3A_16 : i32
      %swap3A = arith.index_cast %mul3A_17 : i32 to index
      %swap3A_18 = tpu.vector_load %arg6[%swap3A] {strides = array<i32>} : memref<512xf32, #tpu.memory_space<vmem>>, vector<16xf32>,
      tpu.vector_store %arg6[%swap3A], %broadcast_in_dim3A_15 {strides = array<i32>} : memref<512xf32, #tpu.memory_space<vmem>>, vector<16xf32>,
      %broadcast_in_dim3A_19 = arith.constant 0 : i32
      %broadcast_in_dim3A_20 = vector.broadcast %broadcast_in_dim3A_19 : i32 to vector<16xi32>
      %mul3A_21 = arith.constant 16 : i32
      %mul3A_22 = arith.muli %scan3A_14, %mul3A_21 : i32
      %swap3A_23 = arith.index_cast %mul3A_22 : i32 to index
      %swap3A_24 = tpu.vector_load %arg7[%swap3A_23] {strides = array<i32>} : memref<512xi32, #tpu.memory_space<vmem>>, vector<16xi32>,
      tpu.vector_store %arg7[%swap3A_23], %broadcast_in_dim3A_20 {strides = array<i32>} : memref<512xi32, #tpu.memory_space<vmem>>, vector<16xi32>,
    }
    %scan3A_5 = arith.constant 32 : i32
    %mul3A_6 = arith.constant 256 : i32
    %mul3A_7 = arith.muli %add3A, %mul3A_6 : i32
    %mul3A_8 = arith.constant 2 : i32
    %mul3A_9 = arith.muli %mul3A_7, %mul3A_8 : i32
    "tpu.region"() ({
      %run_scoped3A = tpu.sem_alloc : memref<!tpu.dma_semaphore, #tpu.memory_space<semaphore_mem>>
      %dma_start3A = tpu.memref_slice %arg3[%mul3A_9] : memref<16384xf32, #tpu.memory_space<hbm>> -> memref<512xf32, #tpu.memory_space<hbm>>
      %dma_start3A_14 = tpu.memref_slice %arg3[%mul3A_9] : memref<16384xf32, #tpu.memory_space<hbm>> -> memref<512xf32, #tpu.memory_space<hbm>>
      tpu.enqueue_dma source(%arg6 : memref<512xf32, #tpu.memory_space<vmem>>) target(%dma_start3A_14 : memref<512xf32, #tpu.memory_space<hbm>>) target_semaphore(%run_scoped3A : memref<!tpu.dma_semaphore, #tpu.memory_space<semaphore_mem>>)
      %dma_wait3A = tpu.memref_slice %arg3[%mul3A_9] : memref<16384xf32, #tpu.memory_space<hbm>> -> memref<512xf32, #tpu.memory_space<hbm>>
      %dma_wait3A_15 = tpu.memref_slice %arg3[%mul3A_9] : memref<16384xf32, #tpu.memory_space<hbm>> -> memref<512xf32, #tpu.memory_space<hbm>>
      tpu.wait_dma2 semaphore(%run_scoped3A : memref<!tpu.dma_semaphore, #tpu.memory_space<semaphore_mem>>) src(%arg6 : memref<512xf32, #tpu.memory_space<vmem>>) dst(%dma_wait3A_15 : memref<512xf32, #tpu.memory_space<hbm>>)
      tpu.yield
    }) : () -> ()
    %mul3A_10 = arith.constant 256 : i32
    %mul3A_11 = arith.muli %add3A, %mul3A_10 : i32
    %mul3A_12 = arith.constant 2 : i32
    %mul3A_13 = arith.muli %mul3A_11, %mul3A_12 : i32
    "tpu.region"() ({
      %run_scoped3A = tpu.sem_alloc : memref<!tpu.dma_semaphore, #tpu.memory_space<semaphore_mem>>
      %dma_start3A = tpu.memref_slice %arg4[%mul3A_13] : memref<16384xi32, #tpu.memory_space<hbm>> -> memref<512xi32, #tpu.memory_space<hbm>>
      %dma_start3A_14 = tpu.memref_slice %arg4[%mul3A_13] : memref<16384xi32, #tpu.memory_space<hbm>> -> memref<512xi32, #tpu.memory_space<hbm>>
      tpu.enqueue_dma source(%arg7 : memref<512xi32, #tpu.memory_space<vmem>>) target(%dma_start3A_14 : memref<512xi32, #tpu.memory_space<hbm>>) target_semaphore(%run_scoped3A : memref<!tpu.dma_semaphore, #tpu.memory_space<semaphore_mem>>)
      %dma_wait3A = tpu.memref_slice %arg4[%mul3A_13] : memref<16384xi32, #tpu.memory_space<hbm>> -> memref<512xi32, #tpu.memory_space<hbm>>
      %dma_wait3A_15 = tpu.memref_slice %arg4[%mul3A_13] : memref<16384xi32, #tpu.memory_space<hbm>> -> memref<512xi32, #tpu.memory_space<hbm>>
      tpu.wait_dma2 semaphore(%run_scoped3A : memref<!tpu.dma_semaphore, #tpu.memory_space<semaphore_mem>>) src(%arg7 : memref<512xi32, #tpu.memory_space<vmem>>) dst(%dma_wait3A_15 : memref<512xi32, #tpu.memory_space<hbm>>)
      tpu.yield
    }) : () -> ()
    return
  }
}

</mosaic_0001>

<sc_bundles>
// kernel: kernel.3.cloned.1.call-start
scs
__scs_entry_jumppad:
0x0: {  	(pc) =	sbr.rel $0x88, $3  }
0x1: {  	(tag) =	ssettag $0x0;
	lr =	simm.s32 $0x1  }
0x2: {  	[smem:$0x3FA0] =	sst lr;
	_ =	strace $0xD0000000  }
0x3: {  	_ = 	snop  }
0x4: {  	_ = 	snop  }
0x5: {  	_ = 	snop  }
0x6: {  	_ = 	snop  }
0x7: {  	_ = 	snop  }
__scs_overlays_trampoline_lowered:
0x8: {  	[smem:$0x3FAF] =	sst s0  }
0x9: {  	[smem:$0x3FB0] =	sst s1  }
0xa: {  	[smem:$0x3FB1] =	sst s2  }
0xb: {  	[smem:$0x3FB2] =	sst s3  }
0xc: {  	[smem:$0x3FB3] =	sst s4  }
0xd: {  	[smem:$0x3FB4] =	sst s5  }
0xe: {  	[smem:$0x3FB5] =	sst s6  }
0xf: {  	[smem:$0x3FB6] =	sst s7  }
0x10: {  	[smem:$0x3FB7] =	sst s8  }
0x11: {  	[smem:$0x3FB8] =	sst s9;
	s0 =	simm.s32 @!p0 $0x0  }
0x12: {  	s1 =	sld [smem:$0x3F9E];
	s0 =	simm.s32 @p0 $0x1  }
0x13: {  	[smem:$0x3FB9] =	sst s0;
	s0 =	simm.s32 @!p1 $0x0  }
0x14: {  	s2 =	sld [smem:$0x3F9D];
	s0 =	simm.s32 @p1 $0x1  }
0x15: {  	[smem:$0x3FBA] =	sst s0;
	s0 =	simm.s32 @!p2 $0x0  }
0x16: {  	s3 =	sld [smem:$0x3FDB];
	s0 =	simm.s32 @p2 $0x1  }
0x17: {  	s4 =	simm.s32 $0x1BF5;
	[smem:$0x3FBC] =	sst s0  }
0x18: {  	s0 =	sld [smem:$0x3F9F];
	_ =	swait.ge [sflag:s4], $0x0  }
0x19: {  	s7 =	sld [smem:$0x3FA0]  }
0x1a: {  	s8 =	sadd.s32 $0xFFFFE003, lr  }
0x1b: {  	s9 =	sadd.s32 $0xFFFFFEF7, lr;
	s5 =	simm.s32 $0xFFFFFFFF;
	p2 =	slt.u32 s8, $0xFFFFF086  }
0x1c: {  	p1 =	slt.u32 s9, $0xF7A;
	s5 =	simm.s32 @!p2 $0x0  }
0x1d: {  	s5 =	simm.s32 @p1 $0x1;
	p0 =	seq.s32 s7, s2  }
0x1e: {  	s7 =	smul.u32 @!p0 $0xF7A, s2;
	p2 =	seq.s32 @!p0 s5, $0x0  }
0x1f: {  	s9 =	smul.u32 $0xF7A, s1;
	s8 =	simm.s32 @!p0 $0x1BF5;
	p2 =	por !p2, p0  }
0x20: {  	[sflag:s8] =	ssyncset.s32 @!p0 $0xFFFFF086;
	s6 =	sadd.s32 @!p0 s3, s7;
	s7 =	simm.s32 @!p0 $0x108  }
0x21: {  	s3 =	sadd.s32 s3, s9;
	s6 =	sadd.s32 @!p0 $0x88, s6;
	s7 =	simm.s32 @p2 $0x1082  }
0x22: {  	[simem:s7], [sflag:s8] =	dma.local @!p0 [hbm:s6], $0xF7A  }
0x23: {  	s9 =	sor.u32 $0xD0000000, s2;
	s6 =	simm.s32 $0x108;
	_ =	swait.ge @!p0 [sflag:s8], $0x0  }
0x24: {  	s3 =	sadd.s32 $0x88, s3;
	s6 =	simm.s32 @!p1 $0x1082;
	[sflag:s4] =	ssyncset.s32 $0xFFFFF086  }
0x25: {  	[simem:s6], [sflag:s4] =	dma.local [hbm:s3], $0xF7A  }
0x26: {  	[smem:$0x3FA0] =	sst s1;
	(tag) =	ssettag s2;
	_ =	strace s9  }
0x27: {  	s1 =	sld [smem:$0x3FB0]  }
0x28: {  	s2 =	sld [smem:$0x3FB1]  }
0x29: {  	s4 =	sld [smem:$0x3FB3]  }
0x2a: {  	p0 =	seq.s32 s5, $0x0;
	s5 =	sld [smem:$0x3FB4]  }
0x2b: {  	s6 =	sld [smem:$0x3FB5]  }
0x2c: {  	s7 =	sld [smem:$0x3FB6]  }
0x2d: {  	s3 =	simm.s32 $0x108;
	s8 =	sld [smem:$0x3FB7]  }
0x2e: {  	s3 =	simm.s32 @!p0 $0x1082;
	s9 =	sld [smem:$0x3FB8]  }
0x2f: {  	lr =	sadd.s32 s0, s3;
	s0 =	sld [smem:$0x3FAF]  }
0x30: {  	s3 =	sld [smem:$0x3FB2]  }
0x31: {  	[smem:$0x3FBB] =	sst s10  }
0x32: {  	s10 =	sld [smem:$0x3FB9];
	_ =	sdelay $0x3  }
0x33: {  	p0 =	seq.s32 s10, $0x1;
	s10 =	sld [smem:$0x3FBB];
	_ =	sdelay $0x3  }
0x34: {  	[smem:$0x3FBB] =	sst s10  }
0x35: {  	s10 =	sld [smem:$0x3FBA];
	_ =	sdelay $0x3  }
0x36: {  	p1 =	seq.s32 s10, $0x1;
	s10 =	sld [smem:$0x3FBB];
	_ =	sdelay $0x3  }
0x37: {  	[smem:$0x3FBB] =	sst s10  }
0x38: {  	s10 =	sld [smem:$0x3FBC]  }
0x39: {  	_ = 	snop;
	(pc) =	sbr.ind lr, $3  }
0x3a: {  	_ = 	snop  }
0x3b: {  	_ = 	snop  }
0x3c: {  	p2 =	seq.s32 s10, $0x1;
	s10 =	sld [smem:$0x3FBB]  }
0x3d: {  	_ =	shalt  }
0x3e: {  	_ =	shalt  }
0x3f: {  	_ =	shalt  }
0x40: {  	_ =	shalt  }
0x41: {  	_ =	shalt  }
0x42: {  	_ =	shalt  }
0x43: {  	_ =	shalt  }
0x44: {  	_ =	shalt  }
0x45: {  	_ =	shalt  }
0x46: {  	_ =	shalt  }
0x47: {  	_ =	shalt  }
0x48: {  	_ =	shalt  }
0x49: {  	_ =	shalt  }
0x4a: {  	_ =	shalt  }
0x4b: {  	_ =	shalt  }
0x4c: {  	_ =	shalt  }
0x4d: {  	_ =	shalt  }
0x4e: {  	_ =	shalt  }
0x4f: {  	_ =	shalt  }
0x50: {  	_ =	shalt  }
0x51: {  	_ =	shalt  }
0x52: {  	_ =	shalt  }
0x53: {  	_ =	shalt  }
0x54: {  	_ =	shalt  }
0x55: {  	_ =	shalt  }
0x56: {  	_ =	shalt  }
0x57: {  	_ =	shalt  }
0x58: {  	_ =	shalt  }
0x59: {  	_ =	shalt  }
0x5a: {  	_ =	shalt  }
0x5b: {  	_ =	shalt  }
0x5c: {  	_ =	shalt  }
0x5d: {  	_ =	shalt  }
0x5e: {  	_ =	shalt  }
0x5f: {  	_ =	shalt  }
0x60: {  	_ =	shalt  }
0x61: {  	_ =	shalt  }
0x62: {  	_ =	shalt  }
0x63: {  	_ =	shalt  }
0x64: {  	_ =	shalt  }
0x65: {  	_ =	shalt  }
0x66: {  	_ =	shalt  }
0x67: {  	_ =	shalt  }
0x68: {  	_ =	shalt  }
0x69: {  	_ =	shalt  }
0x6a: {  	_ =	shalt  }
0x6b: {  	_ =	shalt  }
0x6c: {  	_ =	shalt  }
0x6d: {  	_ =	shalt  }
0x6e: {  	_ =	shalt  }
0x6f: {  	_ =	shalt  }
0x70: {  	_ =	shalt  }
0x71: {  	_ =	shalt  }
0x72: {  	_ =	shalt  }
0x73: {  	_ =	shalt  }
0x74: {  	_ =	shalt  }
0x75: {  	_ =	shalt  }
0x76: {  	_ =	shalt  }
0x77: {  	_ =	shalt  }
0x78: {  	_ =	shalt  }
0x79: {  	_ =	shalt  }
0x7a: {  	_ =	shalt  }
0x7b: {  	_ =	shalt  }
0x7c: {  	_ =	shalt  }
0x7d: {  	_ =	shalt  }
0x7e: {  	_ =	shalt  }
0x7f: {  	_ =	shalt  }
0x80: {  	_ =	shalt  }
0x81: {  	_ =	shalt  }
0x82: {  	_ =	shalt  }
0x83: {  	_ =	shalt  }
0x84: {  	_ =	shalt  }
0x85: {  	_ =	shalt  }
0x86: {  	_ =	shalt  }
0x87: {  	_ =	shalt  }
.Lfunc_end0:
.L_simem_size_0:
called_computation_lowered:
.L_overlay_start_0:
0x88: {  	s2 =	sld [smem:$0x3FD9]  }
0x89: {  	s3 =	sld [smem:$0x3FFE];
	_ =	sdelay $0x1  }
0x8a: {  	s1 =	srdreg.scid  }
0x8b: {  	s0 =	sand.u32 $0x1, s1  }
0x8c: {  	s14 =	sshll.u32 s0, $0xA;
	s2 =	sadd.s32 s3, s2  }
0x8d: {  	s2 =	sadd.s32 s2, s14  }
0x8e: {  	[smem:$0x3FC7] =	sst s2  }
0x8f: {  	_ = 	snop  }
0x90: {  	s2 =	sld [smem:$0x3FD0];
	_ =	sdelay $0x2  }
0x91: {  	s15 =	simm.s32 $0xA;
	s4 =	simm.s32 $0x10  }
0x92: {  	[smem:s4], [sflag:s15] =	dma.local [hbm:s2], $0x1  }
0x93: {  	_ =	swait.eq [sflag:s15], $0x1  }
0x94: {  	[sflag:s15] =	ssyncset.done $0x0  }
0x95: {  	[sflag:s15] =	ssyncadd.s32 $0xFFFFFFFF  }
0x96: {  	s16 =	sld [smem:$0x11];
	(tm) =	ssettm $0x1  }
0x97: {  	s17 =	sld [smem:$0x3FFB];
	_ =	sdelay $0x3  }
0x98: {  	_ =	strace s17  }
0x99: {  	s3 =	sld [smem:$0x3FFC];
	_ =	sdelay $0x3  }
0x9a: {  	_ =	strace s3  }
0x9b: {  	s3 =	sld [smem:$0x3FFD];
	_ =	sdelay $0x3  }
0x9c: {  	_ =	strace s3  }
0x9d: {  	_ =	strace $0x8FFFFFFF  }
0x9e: {  	s18 =	sld [smem:$0x3FDB];
	_ =	sdelay $0x1  }
0x9f: {  	s19 =	simm.s32 $_scs_section_size  }
0xa0: {  	s5 =	simm.s32 $_size__tile_overlayer_lowered;
	s6 =	simm.s32 $_tile_overlayer_lowered  }
0xa1: {  	s22 =	simm.s32 $0x1BFF;
	s21 =	sshll.u32 s6, $0x1;
	s3 =	sadd.s32 s19, s18  }
0xa2: {  	s7 =	simm.s32 $0x0;
	s20 =	sshll.u32 s5, $0x1;
	s5 =	sadd.s32 s21, s3  }
0xa3: {  	[timem:s7], [sflag:s22] =	dma.local [hbm:s5], s20  }
0xa4: {  	_ =	swait.ge [sflag:s22], s20  }
0xa5: {  	s4 =	ssub.s32 $0x0, s20;
	[sflag:s22] =	ssyncset.done $0x0  }
0xa6: {  	[sflag:s22] =	ssyncadd.s32 s4;
	_ =	sdelay $0x1  }
0xa7: {  	s23 =	simm.s32 $0x1B8B  }
0xa8: {  	_ =	swait.ge [sflag:s23], $0x1  }
0xa9: {  	[sflag:s23] =	ssyncset.done $0x0  }
0xaa: {  	s25 =	simm.s32 $0x1B8E;
	s24 =	sld [smem:$0x3FFE];
	[sflag:s23] =	ssyncadd.s32 $0xFFFFFFFF  }
0xab: {  	s26 =	simm.s32 $execute0_lowered;
	[smem:$0x3FD2] =	sst s25  }
0xac: {  	s5 =	sshll.u32 s26, $0x1;
	_ =	strace $0x80000046;
	[dreg:$0x1] =	wrdreg $0xFFFFFFFF  }
0xad: {  	s28 =	simm.s32 $_size_execute0_lowered;
	s3 =	sadd.s32 s3, s5;
	[dreg:$0x0] =	wrdreg $0x0  }
0xae: {  	s5 =	sshll.u32 s28, $0x1;
	[dreg:$0x2] =	wrdreg s3  }
0xaf: {  	[dreg:$0x3] =	wrdreg s5  }
0xb0: {  	[dreg:$0x4] =	wrdreg $0xC0  }
0xb1: {  	_ =	task [dreg:s7], $0x5FFFF  }
0xb2: {  	[dreg:$0x1] =	wrdreg $0xFFFFFFFF  }
0xb3: {  	[dreg:$0x0] =	wrdreg $0x60  }
0xb4: {  	[dreg:$0x2] =	wrdreg s16  }
0xb5: {  	[dreg:$0x3] =	wrdreg s24  }
0xb6: {  	[dreg:$0x4] =	wrdreg $0x9  }
0xb7: {  	_ =	task.clear_ibuf [dreg:s7], $0x5FFFF;
	_ =	strace $0x90000046  }
0xb8: {  	s29 =	simm.s32 $0x9;
	_ =	strace $0x80000048  }
0xb9: {  	_ =	swait.ge [sflag:s29], $0x1  }
0xba: {  	[sflag:s29] =	ssyncadd.s32 $0xFFFFFFFF  }
0xbb: {  	_ =	strace $0x90000048  }
0xbc: {  	_ =	sfence  }
0xbd: {  	s30 =	sld [smem:$0x0];
	_ =	sdelay $0x2  }
0xbe: {  	s31 =	sshll.u32 s1, $0xD;
	s1 =	sshrl.u32 s1, $0x2  }
0xbf: {  	s3 =	sand.u32 $0x4000, s31;
	s1 =	sadd.s32 s1, s30  }
0xc0: {  	s0 =	sor.u32 s3, s0;
	s1 =	sshll.u32 s1, $0x11  }
0xc1: {  	s0 =	sor.u32 s1, s0  }
0xc2: {  	s0 =	sadd.s32 $0x8F2B, s0  }
0xc3: {  	[sflag:s0] =	ssyncadd.remote.s32 $0x1  }
0xc4: {  	_ =	sfence.sel $0xFFFF  }
0xc5: {  	[dreg:$0x0] =	wrdreg $0xFFFFFFFF;
	(pc) =	sbr.abs _section_cstart, $3  }
0xc6: {  	[dreg:$0x1] =	wrdreg $0xFFFFFFFF  }
0xc7: {  	_ =	task.clear_ibuf [dreg:s7], $0x2FFFF;
	_ =	strace $0x9FFFFFFF  }
0xc8: {  	(tm) =	ssettm $0x7FFFFFFF  }
0xc9: {  	_ =	shalt  }
tec
execute0_lowered:
.L_overlay_start_1:
0x0: {  	(tag) =	ssettag $0x1  }
0x1: {  	s3 =	rddreg [dreg:$0x0]  }
0x2: {  	s4 =	rddreg [dreg:$0x1]  }
0x3: {  	s0 =	rddreg [dreg:$0x2];
	s5 =	srdreg.scid  }
0x4: {  	s2 =	simm.s32 $0x0;
	s1 =	stileid.u32;
	s8 =	simm.s32 $0x0  }
0x5: {  	s5 =	sand.u32 $0x1, s5;
	s6 =	sshll.u32 s1, $0x7;
	[smem:$0x7FF] =	sst s2  }
0x6: {  	s7 =	sshll.u32 s5, $0x6;
	s5 =	ssub.s32 $0x2, s5;
	_ =	strace $0x80000047  }
0x7: {  	s6 =	sor.u32 s7, s6;
	s31 =	sshrl.u32 s5, $0x1;
	s7 =	simm.s32 $0x200  }
0x8: {  	s4 =	sadd.s32 s6, s4;
	s5 =	ssub.s32 s5, s31;
	s3 =	sadd.s32 s3, s6  }
0x9: {  	v0 =	vimm.f32 $0.0e+00;
	v1 =	vimm.s32 $0x0;
	s6 =	simm.s32 $0x1;
	s4 =	sadd.s32 $0x4C00, s4;
	s5 =	smax.u32 s5, $0x1  }
.LBB2_1:
0xa: {  	s9 =	simm.s32 $0x40;
	s10 =	simm.s32 $0x0  }
.LBB2_2:
0xb: {  	p0 =	sne.s32 s9, $0x7C0;
	[tilespmem:s10+$0x0] =	vst v0;
	s11 =	smov.u32 s9;
	s9 =	sadd.s32 $0x40, s9  }
.Ltmp0:
0xc: {  	[tilespmem:s10+$0x200] =	vst v1;
	(pc) =	sbr.rel @p0 .LBB2_2-.Ltmp0, $2  }
0xd: {  	_ =	sdelay $0x2  }
0xe: {  	s10 =	sshra.s32 s11, $0x2  }
0xf: {  	[tilespmem:s10+$0x0] =	vst v0  }
0x10: {  	[tilespmem:s10+$0x200] =	vst v1  }
0x11: {  	[hbm4b:s3+s2] =	stream.linear.scatter [tilespmem:s2], [sflag:$0x1], $0x200, $0x38;
	[tilespmem:$0x400] =	vst v63  }
0x12: {  	s8 =	sadd.s32 $0x1, s8;
	_ =	swait.ge [sflag:s6], $0x200  }
0x13: {  	p0 =	sne.s32 s8, s5;
	[sflag:s6] =	ssyncset.done $0x0  }
.Ltmp1:
0x14: {  	[sflag:s6] =	ssyncadd.s32 $0xFFFFFE00;
	(pc) =	sbr.rel @p0 .LBB2_1-.Ltmp1, $4  }
0x15: {  	[hbm4b:s4+s2] =	stream.linear.scatter [tilespmem:s7], [sflag:$0x1], $0x200, $0x38;
	[tilespmem:$0x400] =	vst v63  }
0x16: {  	_ =	swait.ge [sflag:s6], $0x200  }
0x17: {  	[sflag:s6] =	ssyncset.done $0x0  }
0x18: {  	[sflag:s6] =	ssyncadd.s32 $0xFFFFFE00  }
0x19: {  	_ =	sfence.sel $0x180000  }
0x1a: {  	[bflag:$0x0] =	sbarrier.arrive $0xFFFF  }
0x1b: {  	p0 =	sne.s32 s1, $0x0;
	_ =	strace $0x90000047  }
0x1c: {  	s0 =	sadd.s32 @!p0 $0x100000, s0;
	[bflag:$0x2] =	sbarrier.arrive $0xFFFF  }
0x1d: {  	[sflag:s0] =	ssyncadd.tile.s32 @!p0 $0x1;
	_ =	shalt  }
.Lfunc_end2:
_tile_overlayer_lowered:
.L_overlay_start_2:
0x1e: {  	(tag) =	ssettag $0x2  }
0x1f: {  	s0 =	rddreg [dreg:$0x0];
	s2 =	stileid.u32  }
0x20: {  	s1 =	rddreg [dreg:$0x1];
	p0 =	sne.s32 s2, $0x0  }
0x21: {  	s3 =	rddreg [dreg:$0x2];
	[bflag:$0x3] =	sbarrier.arrive $0xFFFF;
	s2 =	simm.s32 @!p0 $0x1C01  }
0x22: {  	[timem:s3], [sflag:s2] =	dma.local @!p0 [hbm:s0], s1  }
0x23: {  	s0 =	simm.s32 @!p0 $0x1  }
0x24: {  	_ =	swait.ge @!p0 [sflag:s0], s1  }
0x25: {  	s1 =	ssub.s32 @!p0 $0x0, s1;
	[sflag:s0] =	ssyncset.done @!p0 $0x0  }
0x26: {  	[sflag:s0] =	ssyncadd.s32 @!p0 s1  }
0x27: {  	[bflag:$0x3] =	sbarrier.arrive $0xFFFF  }
0x28: {  	_ =	shalt  }

</sc_bundles>
